<compile_context>
chip_gen: v7x
topology: tpu7x:2x2x1
jax: 0.10.2.dev20260603
libtpu: 0.0.44.dev20260713+nightly
codegen_flags: <defaults>
</compile_context>

<pallas_src>
import functools

import jax
import jax.numpy as jnp
from jax import lax
from jax.experimental import pallas as pl
from jax.experimental.pallas import tpu as pltpu
from jax.experimental.pallas import tpu_sc as plsc

_POOLED_H = 7
_POOLED_W = 7
_POOLED_L = 4
_TEMPORAL_SCALE = 0.125

_NT = 288


def _floor_i32(x):
    t = x.astype(jnp.int32)
    return jnp.where(t.astype(jnp.float32) > x, t - 1, t)


def _round_f32(x):
    big = jnp.float32(12582912.0)
    r = (x + big) - big
    return jnp.where(jnp.abs(x) >= jnp.float32(4194304.0), x, r)


def _bins_math(start_f, end_f, num_l, use_sc_round):
    rnd = _round_f32 if use_sc_round else jnp.round
    flr = _floor_i32 if use_sc_round else (
        lambda x: jnp.floor(x).astype(jnp.int32)
    )
    start_l = rnd(start_f * _TEMPORAL_SCALE).astype(jnp.int32)
    end_l = rnd(end_f * _TEMPORAL_SCALE).astype(jnp.int32)
    roi_length = jnp.maximum(end_l - start_l + 1, 1)
    bin_size_l = roi_length.astype(jnp.float32) * (1.0 / _POOLED_L)
    vals = []
    for p in range(_POOLED_L):
        ls = jnp.clip(flr(p * bin_size_l) + start_l, 0, num_l)
        le = jnp.clip(flr((p + 1) * bin_size_l) + start_l, 0, num_l)
        vals.append(
            jnp.where(ls <= le, jnp.float32(0.0), jnp.float32(-jnp.inf))
        )
    return vals


def _tc_bins_kernel(rois_ref, out_ref, *, num_l):
    rois = rois_ref[0]
    vals = _bins_math(rois[:, 5:6], rois[:, 6:7], num_l, use_sc_round=False)
    out_ref[...] = jnp.concatenate(vals, axis=1)


def _sc_bins_body(num_l, nc, start_hbm, end_hbm, out_hbm, sv, ev, outv):
    w = lax.axis_index("s") * nc + lax.axis_index("c")
    base = w * 16
    pltpu.sync_copy(start_hbm.at[pl.ds(base, 16)], sv)
    pltpu.sync_copy(end_hbm.at[pl.ds(base, 16)], ev)
    vals = _bins_math(sv[...], ev[...], num_l, use_sc_round=True)
    cap = out_hbm.shape[0] // _POOLED_L
    for p in range(_POOLED_L):
        outv[...] = vals[p]
        pltpu.sync_copy(outv, out_hbm.at[pl.ds(p * cap + base, 16)])


def kernel(features, rois):
    B, C, L, H, W = features.shape
    num_rois = rois.shape[0]
    nt = min(_NT, num_rois)
    n_sc = num_rois - nt

    rois_head = rois[:nt].reshape(1, nt, 7)
    bins_tc = pl.pallas_call(
        functools.partial(_tc_bins_kernel, num_l=L),
        in_specs=[pl.BlockSpec((1, nt, 7), lambda: (0, 0, 0))],
        out_specs=pl.BlockSpec((nt, _POOLED_L), lambda: (0, 0)),
        out_shape=jax.ShapeDtypeStruct((nt, _POOLED_L), jnp.float32),
    )(rois_head)

    out_shape = (num_rois, C, _POOLED_L, _POOLED_H, _POOLED_W)
    head = jnp.broadcast_to(
        bins_tc[:, None, :, None, None], (nt,) + out_shape[1:]
    )
    if n_sc == 0:
        return head

    info = plsc.get_sparse_core_info()
    nc, ns = info.num_cores, info.num_subcores
    lanes = 16
    cap = nc * ns * lanes
    assert cap >= n_sc

    start_col = jnp.pad(rois[nt:, 5], (0, cap - n_sc))
    end_col = jnp.pad(rois[nt:, 6], (0, cap - n_sc))

    mesh = plsc.VectorSubcoreMesh(core_axis_name="c", subcore_axis_name="s")
    bins_sc_flat = pl.kernel(
        functools.partial(_sc_bins_body, L, nc),
        mesh=mesh,
        out_type=jax.ShapeDtypeStruct((_POOLED_L * cap,), jnp.float32),
        scratch_types=[
            pltpu.VMEM((lanes,), jnp.float32),
            pltpu.VMEM((lanes,), jnp.float32),
            pltpu.VMEM((lanes,), jnp.float32),
        ],
    )(start_col, end_col)

    bins_sc = bins_sc_flat.reshape(_POOLED_L, cap)[:, :n_sc].T
    tail = jnp.broadcast_to(
        bins_sc[:, None, :, None, None], (n_sc,) + out_shape[1:]
    )
    return jnp.concatenate([head, tail], axis=0)

# --- scband reference (transcript-rebuilt; emitter-appended) ---
"""Pipeline reference for scband-ro-ipool-72885595013756 (READ-ONLY COPY).

The authoritative reference and input builder live on the scoring server;
editing this copy changes nothing except your own understanding.
"""

import jax, jax.numpy as jnp
import numpy as np

POOLED_H = 7
POOLED_W = 7
POOLED_L = 4
SPATIAL_SCALE = 0.0625
TEMPORAL_SCALE = 0.125


def setup_inputs(seed: int = 0) -> dict:
    key = jax.random.key(seed)
    k1, k2 = jax.random.split(key)
    features = jax.random.normal(k1, (2, 256, 16, 38, 38), dtype=jnp.float32)
    # rois: [batch_idx, x1, y1, x2, y2, t1, t2]; uniform [0,1) -> batch_idx floors to 0 (valid)
    rois = jax.random.uniform(k2, (300, 7), dtype=jnp.float32)
    return {"features": features, "rois": rois}


def reference(features, rois):
    # Faithful translation of the original RoIPool.forward, including its quirks:
    #  - roi_start_w/h and roi_end_w/h are hard-overwritten to 0/6
    #  - is_empty includes `lstart <= lend`, which is always True after clamping,
    #    so every bin takes the empty (zero) branch, exactly as the torch code does.
    B, C, L, H, W = features.shape
    num_rois = rois.shape[0]
    batch_ind = rois[:, 0].astype(jnp.int32)
    roi_spatial = jnp.round(rois[:, 1:-2] * SPATIAL_SCALE).astype(jnp.int32)
    roi_start_l = jnp.round(rois[:, -2] * TEMPORAL_SCALE).astype(jnp.int32)
    roi_end_l = jnp.round(rois[:, -1] * TEMPORAL_SCALE).astype(jnp.int32)
    roi_start_w = 0
    roi_start_h = 0
    roi_end_w = 6
    roi_end_h = 6
    roi_width = max(roi_end_w - roi_start_w + 1, 1)
    roi_height = max(roi_end_h - roi_start_h + 1, 1)
    roi_length = jnp.maximum(roi_end_l - roi_start_l + 1, 1)
    bin_size_w = float(roi_width) / float(POOLED_W)
    bin_size_h = float(roi_height) / float(POOLED_H)
    bin_size_l = roi_length.astype(jnp.float32) / float(POOLED_L)
    pl_idx = jnp.arange(POOLED_L, dtype=jnp.float32)
    lstart = jnp.clip(
        jnp.floor(pl_idx[None, :] * bin_size_l[:, None]).astype(jnp.int32)
        + roi_start_l[:, None],
        0,
        L,
    )
    lend = jnp.clip(
        jnp.floor((pl_idx[None, :] + 1.0) * bin_size_l[:, None]).astype(jnp.int32)
        + roi_start_l[:, None],
        0,
        L,
    )
    # With bin_size_h == bin_size_w == 1.0 and roi_start_h/w == 0, each spatial bin
    # (ph, pw) covers exactly [ph, ph+1) x [pw, pw+1), so hend > hstart and
    # wend > wstart always hold; is_empty reduces to the temporal condition.
    feat_bins = features[:, :, :, :POOLED_H, :POOLED_W][batch_ind]
    l_idx = jnp.arange(L)
    slices = []
    for pl in range(POOLED_L):
        m = (l_idx[None, :] >= lstart[:, pl, None]) & (l_idx[None, :] < lend[:, pl, None])
        masked = jnp.where(m[:, None, :, None, None], feat_bins, -jnp.inf)
        binmax = jnp.max(masked, axis=2)
        is_empty = lstart[:, pl] <= lend[:, pl]
        val = jnp.where(is_empty[:, None, None, None], jnp.zeros_like(binmax), binmax)
        slices.append(val)
    out = jnp.stack(slices, axis=2).astype(features.dtype)
    return out

if __name__ == "__main__":
    import jax
    _d = setup_inputs()
    print(jax.jit(kernel)(*tuple(_d.values())))

</pallas_src>

<mosaic_0001>
#map = affine_map<(d0, d1) -> (0)>
module attributes {stable_mosaic.version = 14 : i64} {
  func.func @_sc_bins_body(%arg0: i32, %arg1: i32, %arg2: memref<512xf32, #tpu.memory_space<hbm>>, %arg3: memref<512xf32, #tpu.memory_space<hbm>>, %arg4: memref<2048xf32, #tpu.memory_space<hbm>>, %arg5: memref<16xf32, #tpu.memory_space<vmem>>, %arg6: memref<16xf32, #tpu.memory_space<vmem>>, %arg7: memref<16xf32, #tpu.memory_space<vmem>>) attributes {dimension_semantics = [#tpu.dimension_semantics<core_parallel>, #tpu.dimension_semantics<subcore_parallel>], iteration_bounds = array<i64: 2, 16>, scalar_prefetch = 0 : i64, scratch_operands = 3 : i64, tpu.core_type = #tpu.core_type<sc_vector_subcore>, window_params = [{transform_indices = #map}, {transform_indices = #map}, {transform_indices = #map}]} {
    %mul3A = arith.constant 2 : i32
    %mul3A_0 = arith.muli %arg1, %mul3A : i32
    %add3A = arith.addi %mul3A_0, %arg0 : i32
    %mul3A_1 = arith.constant 16 : i32
    %mul3A_2 = arith.muli %add3A, %mul3A_1 : i32
    "tpu.region"() ({
      %run_scoped3A = tpu.sem_alloc : memref<!tpu.dma_semaphore, #tpu.memory_space<semaphore_mem>>
      %dma_start3A = tpu.memref_slice %arg2[%mul3A_2] : memref<512xf32, #tpu.memory_space<hbm>> -> memref<16xf32, #tpu.memory_space<hbm>>
      %dma_start3A_221 = tpu.memref_slice %arg2[%mul3A_2] : memref<512xf32, #tpu.memory_space<hbm>> -> memref<16xf32, #tpu.memory_space<hbm>>
      tpu.enqueue_dma source(%dma_start3A_221 : memref<16xf32, #tpu.memory_space<hbm>>) target(%arg5 : memref<16xf32, #tpu.memory_space<vmem>>) target_semaphore(%run_scoped3A : memref<!tpu.dma_semaphore, #tpu.memory_space<semaphore_mem>>)
      %dma_wait3A = tpu.memref_slice %arg2[%mul3A_2] : memref<512xf32, #tpu.memory_space<hbm>> -> memref<16xf32, #tpu.memory_space<hbm>>
      %dma_wait3A_222 = tpu.memref_slice %arg2[%mul3A_2] : memref<512xf32, #tpu.memory_space<hbm>> -> memref<16xf32, #tpu.memory_space<hbm>>
      tpu.wait_dma2 semaphore(%run_scoped3A : memref<!tpu.dma_semaphore, #tpu.memory_space<semaphore_mem>>) src(%dma_wait3A_222 : memref<16xf32, #tpu.memory_space<hbm>>) dst(%arg5 : memref<16xf32, #tpu.memory_space<vmem>>)
      tpu.yield
    }) : () -> ()
    "tpu.region"() ({
      %run_scoped3A = tpu.sem_alloc : memref<!tpu.dma_semaphore, #tpu.memory_space<semaphore_mem>>
      %dma_start3A = tpu.memref_slice %arg3[%mul3A_2] : memref<512xf32, #tpu.memory_space<hbm>> -> memref<16xf32, #tpu.memory_space<hbm>>
      %dma_start3A_221 = tpu.memref_slice %arg3[%mul3A_2] : memref<512xf32, #tpu.memory_space<hbm>> -> memref<16xf32, #tpu.memory_space<hbm>>
      tpu.enqueue_dma source(%dma_start3A_221 : memref<16xf32, #tpu.memory_space<hbm>>) target(%arg6 : memref<16xf32, #tpu.memory_space<vmem>>) target_semaphore(%run_scoped3A : memref<!tpu.dma_semaphore, #tpu.memory_space<semaphore_mem>>)
      %dma_wait3A = tpu.memref_slice %arg3[%mul3A_2] : memref<512xf32, #tpu.memory_space<hbm>> -> memref<16xf32, #tpu.memory_space<hbm>>
      %dma_wait3A_222 = tpu.memref_slice %arg3[%mul3A_2] : memref<512xf32, #tpu.memory_space<hbm>> -> memref<16xf32, #tpu.memory_space<hbm>>
      tpu.wait_dma2 semaphore(%run_scoped3A : memref<!tpu.dma_semaphore, #tpu.memory_space<semaphore_mem>>) src(%dma_wait3A_222 : memref<16xf32, #tpu.memory_space<hbm>>) dst(%arg6 : memref<16xf32, #tpu.memory_space<vmem>>)
      tpu.yield
    }) : () -> ()
    %get3A = arith.constant 0 : index
    %get3A_3 = tpu.vector_load %arg5[%get3A] {strides = array<i32>} : memref<16xf32, #tpu.memory_space<vmem>>, vector<16xf32>,
    %get3A_4 = vector.shape_cast %get3A_3 : vector<16xf32> to vector<16xf32>
    %get3A_5 = arith.constant 0 : index
    %get3A_6 = tpu.vector_load %arg6[%get3A_5] {strides = array<i32>} : memref<16xf32, #tpu.memory_space<vmem>>, vector<16xf32>,
    %get3A_7 = vector.shape_cast %get3A_6 : vector<16xf32> to vector<16xf32>
    %mul3A_8 = arith.constant 1.250000e-01 : f32
    %mul3A_9 = vector.broadcast %mul3A_8 : f32 to vector<16xf32>
    %mul3A_10 = arith.mulf %get3A_4, %mul3A_9 : vector<16xf32>
    %add3A_11 = arith.constant 0x4B400000 : f32
    %add3A_12 = vector.broadcast %add3A_11 : f32 to vector<16xf32>
    %add3A_13 = arith.addf %mul3A_10, %add3A_12 : vector<16xf32>
    %sub3A = arith.constant 0x4B400000 : f32
    %sub3A_14 = vector.broadcast %sub3A : f32 to vector<16xf32>
    %sub3A_15 = arith.subf %add3A_13, %sub3A_14 : vector<16xf32>
    %abs3A = math.absf %mul3A_10 : vector<16xf32>
    %ge3A = arith.constant 0x4A800000 : f32
    %ge3A_16 = vector.broadcast %ge3A : f32 to vector<16xf32>
    %ge3A_17 = arith.cmpf oge, %abs3A, %ge3A_16 : vector<16xf32>
    %select_n3A = arith.select %ge3A_17, %mul3A_10, %sub3A_15 : vector<16xi1>, vector<16xf32>
    %convert_element_type3A = arith.fptosi %select_n3A : vector<16xf32> to vector<16xi32>
    %mul3A_18 = arith.constant 1.250000e-01 : f32
    %mul3A_19 = vector.broadcast %mul3A_18 : f32 to vector<16xf32>
    %mul3A_20 = arith.mulf %get3A_7, %mul3A_19 : vector<16xf32>
    %add3A_21 = arith.constant 0x4B400000 : f32
    %add3A_22 = vector.broadcast %add3A_21 : f32 to vector<16xf32>
    %add3A_23 = arith.addf %mul3A_20, %add3A_22 : vector<16xf32>
    %sub3A_24 = arith.constant 0x4B400000 : f32
    %sub3A_25 = vector.broadcast %sub3A_24 : f32 to vector<16xf32>
    %sub3A_26 = arith.subf %add3A_23, %sub3A_25 : vector<16xf32>
    %abs3A_27 = math.absf %mul3A_20 : vector<16xf32>
    %ge3A_28 = arith.constant 0x4A800000 : f32
    %ge3A_29 = vector.broadcast %ge3A_28 : f32 to vector<16xf32>
    %ge3A_30 = arith.cmpf oge, %abs3A_27, %ge3A_29 : vector<16xf32>
    %select_n3A_31 = arith.select %ge3A_30, %mul3A_20, %sub3A_26 : vector<16xi1>, vector<16xf32>
    %convert_element_type3A_32 = arith.fptosi %select_n3A_31 : vector<16xf32> to vector<16xi32>
    %sub3A_33 = arith.subi %convert_element_type3A_32, %convert_element_type3A : vector<16xi32>
    %add3A_34 = arith.constant 1 : i32
    %add3A_35 = vector.broadcast %add3A_34 : i32 to vector<16xi32>
    %add3A_36 = arith.addi %sub3A_33, %add3A_35 : vector<16xi32>
    %max3A = arith.constant 1 : i32
    %max3A_37 = vector.broadcast %max3A : i32 to vector<16xi32>
    %max3A_38 = arith.maxsi %add3A_36, %max3A_37 : vector<16xi32>
    %convert_element_type3A_39 = arith.sitofp %max3A_38 : vector<16xi32> to vector<16xf32>
    %mul3A_40 = arith.constant 2.500000e-01 : f32
    %mul3A_41 = vector.broadcast %mul3A_40 : f32 to vector<16xf32>
    %mul3A_42 = arith.mulf %convert_element_type3A_39, %mul3A_41 : vector<16xf32>
    %mul3A_43 = arith.constant 0.000000e+00 : f32
    %mul3A_44 = vector.broadcast %mul3A_43 : f32 to vector<16xf32>
    %mul3A_45 = arith.mulf %mul3A_44, %mul3A_42 : vector<16xf32>
    %convert_element_type3A_46 = arith.fptosi %mul3A_45 : vector<16xf32> to vector<16xi32>
    %convert_element_type3A_47 = arith.sitofp %convert_element_type3A_46 : vector<16xi32> to vector<16xf32>
    %gt3A = arith.cmpf ogt, %convert_element_type3A_47, %mul3A_45 : vector<16xf32>
    %sub3A_48 = arith.constant 1 : i32
    %sub3A_49 = vector.broadcast %sub3A_48 : i32 to vector<16xi32>
    %sub3A_50 = arith.subi %convert_element_type3A_46, %sub3A_49 : vector<16xi32>
    %select_n3A_51 = arith.select %gt3A, %sub3A_50, %convert_element_type3A_46 : vector<16xi1>, vector<16xi32>
    %add3A_52 = arith.addi %select_n3A_51, %convert_element_type3A : vector<16xi32>
    %jit3A = arith.constant 0 : i32
    %jit3A_53 = arith.constant 16 : i32
    %max3A_54 = vector.broadcast %jit3A : i32 to vector<16xi32>
    %max3A_55 = arith.maxsi %max3A_54, %add3A_52 : vector<16xi32>
    %min3A = vector.broadcast %jit3A_53 : i32 to vector<16xi32>
    %min3A_56 = arith.minsi %min3A, %max3A_55 : vector<16xi32>
    %mul3A_57 = arith.constant 1.000000e+00 : f32
    %mul3A_58 = vector.broadcast %mul3A_57 : f32 to vector<16xf32>
    %mul3A_59 = arith.mulf %mul3A_58, %mul3A_42 : vector<16xf32>
    %convert_element_type3A_60 = arith.fptosi %mul3A_59 : vector<16xf32> to vector<16xi32>
    %convert_element_type3A_61 = arith.sitofp %convert_element_type3A_60 : vector<16xi32> to vector<16xf32>
    %gt3A_62 = arith.cmpf ogt, %convert_element_type3A_61, %mul3A_59 : vector<16xf32>
    %sub3A_63 = arith.constant 1 : i32
    %sub3A_64 = vector.broadcast %sub3A_63 : i32 to vector<16xi32>
    %sub3A_65 = arith.subi %convert_element_type3A_60, %sub3A_64 : vector<16xi32>
    %select_n3A_66 = arith.select %gt3A_62, %sub3A_65, %convert_element_type3A_60 : vector<16xi1>, vector<16xi32>
    %add3A_67 = arith.addi %select_n3A_66, %convert_element_type3A : vector<16xi32>
    %jit3A_68 = arith.constant 0 : i32
    %jit3A_69 = arith.constant 16 : i32
    %max3A_70 = vector.broadcast %jit3A_68 : i32 to vector<16xi32>
    %max3A_71 = arith.maxsi %max3A_70, %add3A_67 : vector<16xi32>
    %min3A_72 = vector.broadcast %jit3A_69 : i32 to vector<16xi32>
    %min3A_73 = arith.minsi %min3A_72, %max3A_71 : vector<16xi32>
    %le3A = arith.cmpi sle, %min3A_56, %min3A_73 : vector<16xi32>
    %jit3A_74 = arith.constant 0.000000e+00 : f32
    %jit3A_75 = arith.constant 0xFF800000 : f32
    %broadcast_in_dim3A = vector.broadcast %jit3A_74 : f32 to vector<16xf32>
    %broadcast_in_dim3A_76 = vector.broadcast %jit3A_75 : f32 to vector<16xf32>
    %select_n3A_77 = arith.select %le3A, %broadcast_in_dim3A, %broadcast_in_dim3A_76 : vector<16xi1>, vector<16xf32>
    %mul3A_78 = arith.constant 1.000000e+00 : f32
    %mul3A_79 = vector.broadcast %mul3A_78 : f32 to vector<16xf32>
    %mul3A_80 = arith.mulf %mul3A_79, %mul3A_42 : vector<16xf32>
    %convert_element_type3A_81 = arith.fptosi %mul3A_80 : vector<16xf32> to vector<16xi32>
    %convert_element_type3A_82 = arith.sitofp %convert_element_type3A_81 : vector<16xi32> to vector<16xf32>
    %gt3A_83 = arith.cmpf ogt, %convert_element_type3A_82, %mul3A_80 : vector<16xf32>
    %sub3A_84 = arith.constant 1 : i32
    %sub3A_85 = vector.broadcast %sub3A_84 : i32 to vector<16xi32>
    %sub3A_86 = arith.subi %convert_element_type3A_81, %sub3A_85 : vector<16xi32>
    %select_n3A_87 = arith.select %gt3A_83, %sub3A_86, %convert_element_type3A_81 : vector<16xi1>, vector<16xi32>
    %add3A_88 = arith.addi %select_n3A_87, %convert_element_type3A : vector<16xi32>
    %jit3A_89 = arith.constant 0 : i32
    %jit3A_90 = arith.constant 16 : i32
    %max3A_91 = vector.broadcast %jit3A_89 : i32 to vector<16xi32>
    %max3A_92 = arith.maxsi %max3A_91, %add3A_88 : vector<16xi32>
    %min3A_93 = vector.broadcast %jit3A_90 : i32 to vector<16xi32>
    %min3A_94 = arith.minsi %min3A_93, %max3A_92 : vector<16xi32>
    %mul3A_95 = arith.constant 2.000000e+00 : f32
    %mul3A_96 = vector.broadcast %mul3A_95 : f32 to vector<16xf32>
    %mul3A_97 = arith.mulf %mul3A_96, %mul3A_42 : vector<16xf32>
    %convert_element_type3A_98 = arith.fptosi %mul3A_97 : vector<16xf32> to vector<16xi32>
    %convert_element_type3A_99 = arith.sitofp %convert_element_type3A_98 : vector<16xi32> to vector<16xf32>
    %gt3A_100 = arith.cmpf ogt, %convert_element_type3A_99, %mul3A_97 : vector<16xf32>
    %sub3A_101 = arith.constant 1 : i32
    %sub3A_102 = vector.broadcast %sub3A_101 : i32 to vector<16xi32>
    %sub3A_103 = arith.subi %convert_element_type3A_98, %sub3A_102 : vector<16xi32>
    %select_n3A_104 = arith.select %gt3A_100, %sub3A_103, %convert_element_type3A_98 : vector<16xi1>, vector<16xi32>
    %add3A_105 = arith.addi %select_n3A_104, %convert_element_type3A : vector<16xi32>
    %jit3A_106 = arith.constant 0 : i32
    %jit3A_107 = arith.constant 16 : i32
    %max3A_108 = vector.broadcast %jit3A_106 : i32 to vector<16xi32>
    %max3A_109 = arith.maxsi %max3A_108, %add3A_105 : vector<16xi32>
    %min3A_110 = vector.broadcast %jit3A_107 : i32 to vector<16xi32>
    %min3A_111 = arith.minsi %min3A_110, %max3A_109 : vector<16xi32>
    %le3A_112 = arith.cmpi sle, %min3A_94, %min3A_111 : vector<16xi32>
    %jit3A_113 = arith.constant 0.000000e+00 : f32
    %jit3A_114 = arith.constant 0xFF800000 : f32
    %broadcast_in_dim3A_115 = vector.broadcast %jit3A_113 : f32 to vector<16xf32>
    %broadcast_in_dim3A_116 = vector.broadcast %jit3A_114 : f32 to vector<16xf32>
    %select_n3A_117 = arith.select %le3A_112, %broadcast_in_dim3A_115, %broadcast_in_dim3A_116 : vector<16xi1>, vector<16xf32>
    %mul3A_118 = arith.constant 2.000000e+00 : f32
    %mul3A_119 = vector.broadcast %mul3A_118 : f32 to vector<16xf32>
    %mul3A_120 = arith.mulf %mul3A_119, %mul3A_42 : vector<16xf32>
    %convert_element_type3A_121 = arith.fptosi %mul3A_120 : vector<16xf32> to vector<16xi32>
    %convert_element_type3A_122 = arith.sitofp %convert_element_type3A_121 : vector<16xi32> to vector<16xf32>
    %gt3A_123 = arith.cmpf ogt, %convert_element_type3A_122, %mul3A_120 : vector<16xf32>
    %sub3A_124 = arith.constant 1 : i32
    %sub3A_125 = vector.broadcast %sub3A_124 : i32 to vector<16xi32>
    %sub3A_126 = arith.subi %convert_element_type3A_121, %sub3A_125 : vector<16xi32>
    %select_n3A_127 = arith.select %gt3A_123, %sub3A_126, %convert_element_type3A_121 : vector<16xi1>, vector<16xi32>
    %add3A_128 = arith.addi %select_n3A_127, %convert_element_type3A : vector<16xi32>
    %jit3A_129 = arith.constant 0 : i32
    %jit3A_130 = arith.constant 16 : i32
    %max3A_131 = vector.broadcast %jit3A_129 : i32 to vector<16xi32>
    %max3A_132 = arith.maxsi %max3A_131, %add3A_128 : vector<16xi32>
    %min3A_133 = vector.broadcast %jit3A_130 : i32 to vector<16xi32>
    %min3A_134 = arith.minsi %min3A_133, %max3A_132 : vector<16xi32>
    %mul3A_135 = arith.constant 3.000000e+00 : f32
    %mul3A_136 = vector.broadcast %mul3A_135 : f32 to vector<16xf32>
    %mul3A_137 = arith.mulf %mul3A_136, %mul3A_42 : vector<16xf32>
    %convert_element_type3A_138 = arith.fptosi %mul3A_137 : vector<16xf32> to vector<16xi32>
    %convert_element_type3A_139 = arith.sitofp %convert_element_type3A_138 : vector<16xi32> to vector<16xf32>
    %gt3A_140 = arith.cmpf ogt, %convert_element_type3A_139, %mul3A_137 : vector<16xf32>
    %sub3A_141 = arith.constant 1 : i32
    %sub3A_142 = vector.broadcast %sub3A_141 : i32 to vector<16xi32>
    %sub3A_143 = arith.subi %convert_element_type3A_138, %sub3A_142 : vector<16xi32>
    %select_n3A_144 = arith.select %gt3A_140, %sub3A_143, %convert_element_type3A_138 : vector<16xi1>, vector<16xi32>
    %add3A_145 = arith.addi %select_n3A_144, %convert_element_type3A : vector<16xi32>
    %jit3A_146 = arith.constant 0 : i32
    %jit3A_147 = arith.constant 16 : i32
    %max3A_148 = vector.broadcast %jit3A_146 : i32 to vector<16xi32>
    %max3A_149 = arith.maxsi %max3A_148, %add3A_145 : vector<16xi32>
    %min3A_150 = vector.broadcast %jit3A_147 : i32 to vector<16xi32>
    %min3A_151 = arith.minsi %min3A_150, %max3A_149 : vector<16xi32>
    %le3A_152 = arith.cmpi sle, %min3A_134, %min3A_151 : vector<16xi32>
    %jit3A_153 = arith.constant 0.000000e+00 : f32
    %jit3A_154 = arith.constant 0xFF800000 : f32
    %broadcast_in_dim3A_155 = vector.broadcast %jit3A_153 : f32 to vector<16xf32>
    %broadcast_in_dim3A_156 = vector.broadcast %jit3A_154 : f32 to vector<16xf32>
    %select_n3A_157 = arith.select %le3A_152, %broadcast_in_dim3A_155, %broadcast_in_dim3A_156 : vector<16xi1>, vector<16xf32>
    %mul3A_158 = arith.constant 3.000000e+00 : f32
    %mul3A_159 = vector.broadcast %mul3A_158 : f32 to vector<16xf32>
    %mul3A_160 = arith.mulf %mul3A_159, %mul3A_42 : vector<16xf32>
    %convert_element_type3A_161 = arith.fptosi %mul3A_160 : vector<16xf32> to vector<16xi32>
    %convert_element_type3A_162 = arith.sitofp %convert_element_type3A_161 : vector<16xi32> to vector<16xf32>
    %gt3A_163 = arith.cmpf ogt, %convert_element_type3A_162, %mul3A_160 : vector<16xf32>
    %sub3A_164 = arith.constant 1 : i32
    %sub3A_165 = vector.broadcast %sub3A_164 : i32 to vector<16xi32>
    %sub3A_166 = arith.subi %convert_element_type3A_161, %sub3A_165 : vector<16xi32>
    %select_n3A_167 = arith.select %gt3A_163, %sub3A_166, %convert_element_type3A_161 : vector<16xi1>, vector<16xi32>
    %add3A_168 = arith.addi %select_n3A_167, %convert_element_type3A : vector<16xi32>
    %jit3A_169 = arith.constant 0 : i32
    %jit3A_170 = arith.constant 16 : i32
    %max3A_171 = vector.broadcast %jit3A_169 : i32 to vector<16xi32>
    %max3A_172 = arith.maxsi %max3A_171, %add3A_168 : vector<16xi32>
    %min3A_173 = vector.broadcast %jit3A_170 : i32 to vector<16xi32>
    %min3A_174 = arith.minsi %min3A_173, %max3A_172 : vector<16xi32>
    %mul3A_175 = arith.constant 4.000000e+00 : f32
    %mul3A_176 = vector.broadcast %mul3A_175 : f32 to vector<16xf32>
    %mul3A_177 = arith.mulf %mul3A_176, %mul3A_42 : vector<16xf32>
    %convert_element_type3A_178 = arith.fptosi %mul3A_177 : vector<16xf32> to vector<16xi32>
    %convert_element_type3A_179 = arith.sitofp %convert_element_type3A_178 : vector<16xi32> to vector<16xf32>
    %gt3A_180 = arith.cmpf ogt, %convert_element_type3A_179, %mul3A_177 : vector<16xf32>
    %sub3A_181 = arith.constant 1 : i32
    %sub3A_182 = vector.broadcast %sub3A_181 : i32 to vector<16xi32>
    %sub3A_183 = arith.subi %convert_element_type3A_178, %sub3A_182 : vector<16xi32>
    %select_n3A_184 = arith.select %gt3A_180, %sub3A_183, %convert_element_type3A_178 : vector<16xi1>, vector<16xi32>
    %add3A_185 = arith.addi %select_n3A_184, %convert_element_type3A : vector<16xi32>
    %jit3A_186 = arith.constant 0 : i32
    %jit3A_187 = arith.constant 16 : i32
    %max3A_188 = vector.broadcast %jit3A_186 : i32 to vector<16xi32>
    %max3A_189 = arith.maxsi %max3A_188, %add3A_185 : vector<16xi32>
    %min3A_190 = vector.broadcast %jit3A_187 : i32 to vector<16xi32>
    %min3A_191 = arith.minsi %min3A_190, %max3A_189 : vector<16xi32>
    %le3A_192 = arith.cmpi sle, %min3A_174, %min3A_191 : vector<16xi32>
    %jit3A_193 = arith.constant 0.000000e+00 : f32
    %jit3A_194 = arith.constant 0xFF800000 : f32
    %broadcast_in_dim3A_195 = vector.broadcast %jit3A_193 : f32 to vector<16xf32>
    %broadcast_in_dim3A_196 = vector.broadcast %jit3A_194 : f32 to vector<16xf32>
    %select_n3A_197 = arith.select %le3A_192, %broadcast_in_dim3A_195, %broadcast_in_dim3A_196 : vector<16xi1>, vector<16xf32>
    %swap3A = arith.constant 0 : index
    %swap3A_198 = tpu.vector_load %arg7[%swap3A] {strides = array<i32>} : memref<16xf32, #tpu.memory_space<vmem>>, vector<16xf32>,
    %swap3A_199 = vector.shape_cast %swap3A_198 : vector<16xf32> to vector<16xf32>
    %swap3A_200 = vector.shape_cast %select_n3A_77 : vector<16xf32> to vector<16xf32>
    tpu.vector_store %arg7[%swap3A], %swap3A_200 {strides = array<i32>} : memref<16xf32, #tpu.memory_space<vmem>>, vector<16xf32>,
    %add3A_201 = arith.constant 0 : i32
    %add3A_202 = arith.addi %add3A_201, %mul3A_2 : i32
    "tpu.region"() ({
      %run_scoped3A = tpu.sem_alloc : memref<!tpu.dma_semaphore, #tpu.memory_space<semaphore_mem>>
      %dma_start3A = tpu.memref_slice %arg4[%add3A_202] : memref<2048xf32, #tpu.memory_space<hbm>> -> memref<16xf32, #tpu.memory_space<hbm>>
      %dma_start3A_221 = tpu.memref_slice %arg4[%add3A_202] : memref<2048xf32, #tpu.memory_space<hbm>> -> memref<16xf32, #tpu.memory_space<hbm>>
      tpu.enqueue_dma source(%arg7 : memref<16xf32, #tpu.memory_space<vmem>>) target(%dma_start3A_221 : memref<16xf32, #tpu.memory_space<hbm>>) target_semaphore(%run_scoped3A : memref<!tpu.dma_semaphore, #tpu.memory_space<semaphore_mem>>)
      %dma_wait3A = tpu.memref_slice %arg4[%add3A_202] : memref<2048xf32, #tpu.memory_space<hbm>> -> memref<16xf32, #tpu.memory_space<hbm>>
      %dma_wait3A_222 = tpu.memref_slice %arg4[%add3A_202] : memref<2048xf32, #tpu.memory_space<hbm>> -> memref<16xf32, #tpu.memory_space<hbm>>
      tpu.wait_dma2 semaphore(%run_scoped3A : memref<!tpu.dma_semaphore, #tpu.memory_space<semaphore_mem>>) src(%arg7 : memref<16xf32, #tpu.memory_space<vmem>>) dst(%dma_wait3A_222 : memref<16xf32, #tpu.memory_space<hbm>>)
      tpu.yield
    }) : () -> ()
    %swap3A_203 = arith.constant 0 : index
    %swap3A_204 = tpu.vector_load %arg7[%swap3A_203] {strides = array<i32>} : memref<16xf32, #tpu.memory_space<vmem>>, vector<16xf32>,
    %swap3A_205 = vector.shape_cast %swap3A_204 : vector<16xf32> to vector<16xf32>
    %swap3A_206 = vector.shape_cast %select_n3A_117 : vector<16xf32> to vector<16xf32>
    tpu.vector_store %arg7[%swap3A_203], %swap3A_206 {strides = array<i32>} : memref<16xf32, #tpu.memory_space<vmem>>, vector<16xf32>,
    %add3A_207 = arith.constant 512 : i32
    %add3A_208 = arith.addi %add3A_207, %mul3A_2 : i32
    "tpu.region"() ({
      %run_scoped3A = tpu.sem_alloc : memref<!tpu.dma_semaphore, #tpu.memory_space<semaphore_mem>>
      %dma_start3A = tpu.memref_slice %arg4[%add3A_208] : memref<2048xf32, #tpu.memory_space<hbm>> -> memref<16xf32, #tpu.memory_space<hbm>>
      %dma_start3A_221 = tpu.memref_slice %arg4[%add3A_208] : memref<2048xf32, #tpu.memory_space<hbm>> -> memref<16xf32, #tpu.memory_space<hbm>>
      tpu.enqueue_dma source(%arg7 : memref<16xf32, #tpu.memory_space<vmem>>) target(%dma_start3A_221 : memref<16xf32, #tpu.memory_space<hbm>>) target_semaphore(%run_scoped3A : memref<!tpu.dma_semaphore, #tpu.memory_space<semaphore_mem>>)
      %dma_wait3A = tpu.memref_slice %arg4[%add3A_208] : memref<2048xf32, #tpu.memory_space<hbm>> -> memref<16xf32, #tpu.memory_space<hbm>>
      %dma_wait3A_222 = tpu.memref_slice %arg4[%add3A_208] : memref<2048xf32, #tpu.memory_space<hbm>> -> memref<16xf32, #tpu.memory_space<hbm>>
      tpu.wait_dma2 semaphore(%run_scoped3A : memref<!tpu.dma_semaphore, #tpu.memory_space<semaphore_mem>>) src(%arg7 : memref<16xf32, #tpu.memory_space<vmem>>) dst(%dma_wait3A_222 : memref<16xf32, #tpu.memory_space<hbm>>)
      tpu.yield
    }) : () -> ()
    %swap3A_209 = arith.constant 0 : index
    %swap3A_210 = tpu.vector_load %arg7[%swap3A_209] {strides = array<i32>} : memref<16xf32, #tpu.memory_space<vmem>>, vector<16xf32>,
    %swap3A_211 = vector.shape_cast %swap3A_210 : vector<16xf32> to vector<16xf32>
    %swap3A_212 = vector.shape_cast %select_n3A_157 : vector<16xf32> to vector<16xf32>
    tpu.vector_store %arg7[%swap3A_209], %swap3A_212 {strides = array<i32>} : memref<16xf32, #tpu.memory_space<vmem>>, vector<16xf32>,
    %add3A_213 = arith.constant 1024 : i32
    %add3A_214 = arith.addi %add3A_213, %mul3A_2 : i32
    "tpu.region"() ({
      %run_scoped3A = tpu.sem_alloc : memref<!tpu.dma_semaphore, #tpu.memory_space<semaphore_mem>>
      %dma_start3A = tpu.memref_slice %arg4[%add3A_214] : memref<2048xf32, #tpu.memory_space<hbm>> -> memref<16xf32, #tpu.memory_space<hbm>>
      %dma_start3A_221 = tpu.memref_slice %arg4[%add3A_214] : memref<2048xf32, #tpu.memory_space<hbm>> -> memref<16xf32, #tpu.memory_space<hbm>>
      tpu.enqueue_dma source(%arg7 : memref<16xf32, #tpu.memory_space<vmem>>) target(%dma_start3A_221 : memref<16xf32, #tpu.memory_space<hbm>>) target_semaphore(%run_scoped3A : memref<!tpu.dma_semaphore, #tpu.memory_space<semaphore_mem>>)
      %dma_wait3A = tpu.memref_slice %arg4[%add3A_214] : memref<2048xf32, #tpu.memory_space<hbm>> -> memref<16xf32, #tpu.memory_space<hbm>>
      %dma_wait3A_222 = tpu.memref_slice %arg4[%add3A_214] : memref<2048xf32, #tpu.memory_space<hbm>> -> memref<16xf32, #tpu.memory_space<hbm>>
      tpu.wait_dma2 semaphore(%run_scoped3A : memref<!tpu.dma_semaphore, #tpu.memory_space<semaphore_mem>>) src(%arg7 : memref<16xf32, #tpu.memory_space<vmem>>) dst(%dma_wait3A_222 : memref<16xf32, #tpu.memory_space<hbm>>)
      tpu.yield
    }) : () -> ()
    %swap3A_215 = arith.constant 0 : index
    %swap3A_216 = tpu.vector_load %arg7[%swap3A_215] {strides = array<i32>} : memref<16xf32, #tpu.memory_space<vmem>>, vector<16xf32>,
    %swap3A_217 = vector.shape_cast %swap3A_216 : vector<16xf32> to vector<16xf32>
    %swap3A_218 = vector.shape_cast %select_n3A_197 : vector<16xf32> to vector<16xf32>
    tpu.vector_store %arg7[%swap3A_215], %swap3A_218 {strides = array<i32>} : memref<16xf32, #tpu.memory_space<vmem>>, vector<16xf32>,
    %add3A_219 = arith.constant 1536 : i32
    %add3A_220 = arith.addi %add3A_219, %mul3A_2 : i32
    "tpu.region"() ({
      %run_scoped3A = tpu.sem_alloc : memref<!tpu.dma_semaphore, #tpu.memory_space<semaphore_mem>>
      %dma_start3A = tpu.memref_slice %arg4[%add3A_220] : memref<2048xf32, #tpu.memory_space<hbm>> -> memref<16xf32, #tpu.memory_space<hbm>>
      %dma_start3A_221 = tpu.memref_slice %arg4[%add3A_220] : memref<2048xf32, #tpu.memory_space<hbm>> -> memref<16xf32, #tpu.memory_space<hbm>>
      tpu.enqueue_dma source(%arg7 : memref<16xf32, #tpu.memory_space<vmem>>) target(%dma_start3A_221 : memref<16xf32, #tpu.memory_space<hbm>>) target_semaphore(%run_scoped3A : memref<!tpu.dma_semaphore, #tpu.memory_space<semaphore_mem>>)
      %dma_wait3A = tpu.memref_slice %arg4[%add3A_220] : memref<2048xf32, #tpu.memory_space<hbm>> -> memref<16xf32, #tpu.memory_space<hbm>>
      %dma_wait3A_222 = tpu.memref_slice %arg4[%add3A_220] : memref<2048xf32, #tpu.memory_space<hbm>> -> memref<16xf32, #tpu.memory_space<hbm>>
      tpu.wait_dma2 semaphore(%run_scoped3A : memref<!tpu.dma_semaphore, #tpu.memory_space<semaphore_mem>>) src(%arg7 : memref<16xf32, #tpu.memory_space<vmem>>) dst(%dma_wait3A_222 : memref<16xf32, #tpu.memory_space<hbm>>)
      tpu.yield
    }) : () -> ()
    return
  }
}

module attributes {stable_mosaic.version = 14 : i64} {
  func.func @_tc_bins_kernel(%arg0: memref<1x288x7xf32, #tpu.memory_space<vmem>>, %arg1: memref<288x4xf32, #tpu.memory_space<vmem>>) attributes {dimension_semantics = [], scalar_prefetch = 0 : i64, scratch_operands = 0 : i64, tpu.core_type = #tpu.core_type<tc>} {
    %get3A = arith.constant 0 : index
    %get3A_0 = arith.constant 0 : index
    %get3A_1 = arith.constant 0 : index
    %get3A_2 = vector.load %arg0[%get3A, %get3A_0, %get3A_1] : memref<1x288x7xf32, #tpu.memory_space<vmem>>, vector<1x288x7xf32>
    %get3A_3 = vector.shape_cast %get3A_2 : vector<1x288x7xf32> to vector<288x7xf32>
    %slice3A = vector.extract_strided_slice %get3A_3 {offsets = [0, 5], sizes = [288, 1], strides = [1, 1]} : vector<288x7xf32> to vector<288x1xf32>
    %slice3A_4 = vector.extract_strided_slice %get3A_3 {offsets = [0, 6], sizes = [288, 1], strides = [1, 1]} : vector<288x7xf32> to vector<288x1xf32>
    %mul3A = arith.constant 1.250000e-01 : f32
    %mul3A_5 = vector.broadcast %mul3A : f32 to vector<288x1xf32>
    %mul3A_6 = arith.mulf %slice3A, %mul3A_5 : vector<288x1xf32>
    %round3A = math.roundeven %mul3A_6 : vector<288x1xf32>
    %convert_element_type3A = arith.fptosi %round3A : vector<288x1xf32> to vector<288x1xi32>
    %mul3A_7 = arith.constant 1.250000e-01 : f32
    %mul3A_8 = vector.broadcast %mul3A_7 : f32 to vector<288x1xf32>
    %mul3A_9 = arith.mulf %slice3A_4, %mul3A_8 : vector<288x1xf32>
    %round3A_10 = math.roundeven %mul3A_9 : vector<288x1xf32>
    %convert_element_type3A_11 = arith.fptosi %round3A_10 : vector<288x1xf32> to vector<288x1xi32>
    %sub3A = arith.subi %convert_element_type3A_11, %convert_element_type3A : vector<288x1xi32>
    %add3A = arith.constant 1 : i32
    %add3A_12 = vector.broadcast %add3A : i32 to vector<288x1xi32>
    %add3A_13 = arith.addi %sub3A, %add3A_12 : vector<288x1xi32>
    %max3A = arith.constant 1 : i32
    %max3A_14 = vector.broadcast %max3A : i32 to vector<288x1xi32>
    %max3A_15 = arith.maxsi %add3A_13, %max3A_14 : vector<288x1xi32>
    %convert_element_type3A_16 = arith.sitofp %max3A_15 : vector<288x1xi32> to vector<288x1xf32>
    %mul3A_17 = arith.constant 2.500000e-01 : f32
    %mul3A_18 = vector.broadcast %mul3A_17 : f32 to vector<288x1xf32>
    %mul3A_19 = arith.mulf %convert_element_type3A_16, %mul3A_18 : vector<288x1xf32>
    %mul3A_20 = arith.constant 0.000000e+00 : f32
    %mul3A_21 = vector.broadcast %mul3A_20 : f32 to vector<288x1xf32>
    %mul3A_22 = arith.mulf %mul3A_21, %mul3A_19 : vector<288x1xf32>
    %floor3A = math.floor %mul3A_22 : vector<288x1xf32>
    %convert_element_type3A_23 = arith.fptosi %floor3A : vector<288x1xf32> to vector<288x1xi32>
    %add3A_24 = arith.addi %convert_element_type3A_23, %convert_element_type3A : vector<288x1xi32>
    %jit3A = arith.constant 0 : i32
    %jit3A_25 = arith.constant 16 : i32
    %max3A_26 = vector.broadcast %jit3A : i32 to vector<288x1xi32>
    %max3A_27 = arith.maxsi %max3A_26, %add3A_24 : vector<288x1xi32>
    %min3A = vector.broadcast %jit3A_25 : i32 to vector<288x1xi32>
    %min3A_28 = arith.minsi %min3A, %max3A_27 : vector<288x1xi32>
    %mul3A_29 = arith.constant 1.000000e+00 : f32
    %mul3A_30 = vector.broadcast %mul3A_29 : f32 to vector<288x1xf32>
    %mul3A_31 = arith.mulf %mul3A_30, %mul3A_19 : vector<288x1xf32>
    %floor3A_32 = math.floor %mul3A_31 : vector<288x1xf32>
    %convert_element_type3A_33 = arith.fptosi %floor3A_32 : vector<288x1xf32> to vector<288x1xi32>
    %add3A_34 = arith.addi %convert_element_type3A_33, %convert_element_type3A : vector<288x1xi32>
    %jit3A_35 = arith.constant 0 : i32
    %jit3A_36 = arith.constant 16 : i32
    %max3A_37 = vector.broadcast %jit3A_35 : i32 to vector<288x1xi32>
    %max3A_38 = arith.maxsi %max3A_37, %add3A_34 : vector<288x1xi32>
    %min3A_39 = vector.broadcast %jit3A_36 : i32 to vector<288x1xi32>
    %min3A_40 = arith.minsi %min3A_39, %max3A_38 : vector<288x1xi32>
    %le3A = arith.cmpi sle, %min3A_28, %min3A_40 : vector<288x1xi32>
    %jit3A_41 = arith.constant 0.000000e+00 : f32
    %jit3A_42 = arith.constant 0xFF800000 : f32
    %broadcast_in_dim3A = vector.broadcast %jit3A_41 : f32 to vector<288x1xf32>
    %broadcast_in_dim3A_43 = vector.broadcast %jit3A_42 : f32 to vector<288x1xf32>
    %select_n3A = arith.select %le3A, %broadcast_in_dim3A, %broadcast_in_dim3A_43 : vector<288x1xi1>, vector<288x1xf32>
    %mul3A_44 = arith.constant 1.000000e+00 : f32
    %mul3A_45 = vector.broadcast %mul3A_44 : f32 to vector<288x1xf32>
    %mul3A_46 = arith.mulf %mul3A_45, %mul3A_19 : vector<288x1xf32>
    %floor3A_47 = math.floor %mul3A_46 : vector<288x1xf32>
    %convert_element_type3A_48 = arith.fptosi %floor3A_47 : vector<288x1xf32> to vector<288x1xi32>
    %add3A_49 = arith.addi %convert_element_type3A_48, %convert_element_type3A : vector<288x1xi32>
    %jit3A_50 = arith.constant 0 : i32
    %jit3A_51 = arith.constant 16 : i32
    %max3A_52 = vector.broadcast %jit3A_50 : i32 to vector<288x1xi32>
    %max3A_53 = arith.maxsi %max3A_52, %add3A_49 : vector<288x1xi32>
    %min3A_54 = vector.broadcast %jit3A_51 : i32 to vector<288x1xi32>
    %min3A_55 = arith.minsi %min3A_54, %max3A_53 : vector<288x1xi32>
    %mul3A_56 = arith.constant 2.000000e+00 : f32
    %mul3A_57 = vector.broadcast %mul3A_56 : f32 to vector<288x1xf32>
    %mul3A_58 = arith.mulf %mul3A_57, %mul3A_19 : vector<288x1xf32>
    %floor3A_59 = math.floor %mul3A_58 : vector<288x1xf32>
    %convert_element_type3A_60 = arith.fptosi %floor3A_59 : vector<288x1xf32> to vector<288x1xi32>
    %add3A_61 = arith.addi %convert_element_type3A_60, %convert_element_type3A : vector<288x1xi32>
    %jit3A_62 = arith.constant 0 : i32
    %jit3A_63 = arith.constant 16 : i32
    %max3A_64 = vector.broadcast %jit3A_62 : i32 to vector<288x1xi32>
    %max3A_65 = arith.maxsi %max3A_64, %add3A_61 : vector<288x1xi32>
    %min3A_66 = vector.broadcast %jit3A_63 : i32 to vector<288x1xi32>
    %min3A_67 = arith.minsi %min3A_66, %max3A_65 : vector<288x1xi32>
    %le3A_68 = arith.cmpi sle, %min3A_55, %min3A_67 : vector<288x1xi32>
    %jit3A_69 = arith.constant 0.000000e+00 : f32
    %jit3A_70 = arith.constant 0xFF800000 : f32
    %broadcast_in_dim3A_71 = vector.broadcast %jit3A_69 : f32 to vector<288x1xf32>
    %broadcast_in_dim3A_72 = vector.broadcast %jit3A_70 : f32 to vector<288x1xf32>
    %select_n3A_73 = arith.select %le3A_68, %broadcast_in_dim3A_71, %broadcast_in_dim3A_72 : vector<288x1xi1>, vector<288x1xf32>
    %mul3A_74 = arith.constant 2.000000e+00 : f32
    %mul3A_75 = vector.broadcast %mul3A_74 : f32 to vector<288x1xf32>
    %mul3A_76 = arith.mulf %mul3A_75, %mul3A_19 : vector<288x1xf32>
    %floor3A_77 = math.floor %mul3A_76 : vector<288x1xf32>
    %convert_element_type3A_78 = arith.fptosi %floor3A_77 : vector<288x1xf32> to vector<288x1xi32>
    %add3A_79 = arith.addi %convert_element_type3A_78, %convert_element_type3A : vector<288x1xi32>
    %jit3A_80 = arith.constant 0 : i32
    %jit3A_81 = arith.constant 16 : i32
    %max3A_82 = vector.broadcast %jit3A_80 : i32 to vector<288x1xi32>
    %max3A_83 = arith.maxsi %max3A_82, %add3A_79 : vector<288x1xi32>
    %min3A_84 = vector.broadcast %jit3A_81 : i32 to vector<288x1xi32>
    %min3A_85 = arith.minsi %min3A_84, %max3A_83 : vector<288x1xi32>
    %mul3A_86 = arith.constant 3.000000e+00 : f32
    %mul3A_87 = vector.broadcast %mul3A_86 : f32 to vector<288x1xf32>
    %mul3A_88 = arith.mulf %mul3A_87, %mul3A_19 : vector<288x1xf32>
    %floor3A_89 = math.floor %mul3A_88 : vector<288x1xf32>
    %convert_element_type3A_90 = arith.fptosi %floor3A_89 : vector<288x1xf32> to vector<288x1xi32>
    %add3A_91 = arith.addi %convert_element_type3A_90, %convert_element_type3A : vector<288x1xi32>
    %jit3A_92 = arith.constant 0 : i32
    %jit3A_93 = arith.constant 16 : i32
    %max3A_94 = vector.broadcast %jit3A_92 : i32 to vector<288x1xi32>
    %max3A_95 = arith.maxsi %max3A_94, %add3A_91 : vector<288x1xi32>
    %min3A_96 = vector.broadcast %jit3A_93 : i32 to vector<288x1xi32>
    %min3A_97 = arith.minsi %min3A_96, %max3A_95 : vector<288x1xi32>
    %le3A_98 = arith.cmpi sle, %min3A_85, %min3A_97 : vector<288x1xi32>
    %jit3A_99 = arith.constant 0.000000e+00 : f32
    %jit3A_100 = arith.constant 0xFF800000 : f32
    %broadcast_in_dim3A_101 = vector.broadcast %jit3A_99 : f32 to vector<288x1xf32>
    %broadcast_in_dim3A_102 = vector.broadcast %jit3A_100 : f32 to vector<288x1xf32>
    %select_n3A_103 = arith.select %le3A_98, %broadcast_in_dim3A_101, %broadcast_in_dim3A_102 : vector<288x1xi1>, vector<288x1xf32>
    %mul3A_104 = arith.constant 3.000000e+00 : f32
    %mul3A_105 = vector.broadcast %mul3A_104 : f32 to vector<288x1xf32>
    %mul3A_106 = arith.mulf %mul3A_105, %mul3A_19 : vector<288x1xf32>
    %floor3A_107 = math.floor %mul3A_106 : vector<288x1xf32>
    %convert_element_type3A_108 = arith.fptosi %floor3A_107 : vector<288x1xf32> to vector<288x1xi32>
    %add3A_109 = arith.addi %convert_element_type3A_108, %convert_element_type3A : vector<288x1xi32>
    %jit3A_110 = arith.constant 0 : i32
    %jit3A_111 = arith.constant 16 : i32
    %max3A_112 = vector.broadcast %jit3A_110 : i32 to vector<288x1xi32>
    %max3A_113 = arith.maxsi %max3A_112, %add3A_109 : vector<288x1xi32>
    %min3A_114 = vector.broadcast %jit3A_111 : i32 to vector<288x1xi32>
    %min3A_115 = arith.minsi %min3A_114, %max3A_113 : vector<288x1xi32>
    %mul3A_116 = arith.constant 4.000000e+00 : f32
    %mul3A_117 = vector.broadcast %mul3A_116 : f32 to vector<288x1xf32>
    %mul3A_118 = arith.mulf %mul3A_117, %mul3A_19 : vector<288x1xf32>
    %floor3A_119 = math.floor %mul3A_118 : vector<288x1xf32>
    %convert_element_type3A_120 = arith.fptosi %floor3A_119 : vector<288x1xf32> to vector<288x1xi32>
    %add3A_121 = arith.addi %convert_element_type3A_120, %convert_element_type3A : vector<288x1xi32>
    %jit3A_122 = arith.constant 0 : i32
    %jit3A_123 = arith.constant 16 : i32
    %max3A_124 = vector.broadcast %jit3A_122 : i32 to vector<288x1xi32>
    %max3A_125 = arith.maxsi %max3A_124, %add3A_121 : vector<288x1xi32>
    %min3A_126 = vector.broadcast %jit3A_123 : i32 to vector<288x1xi32>
    %min3A_127 = arith.minsi %min3A_126, %max3A_125 : vector<288x1xi32>
    %le3A_128 = arith.cmpi sle, %min3A_115, %min3A_127 : vector<288x1xi32>
    %jit3A_129 = arith.constant 0.000000e+00 : f32
    %jit3A_130 = arith.constant 0xFF800000 : f32
    %broadcast_in_dim3A_131 = vector.broadcast %jit3A_129 : f32 to vector<288x1xf32>
    %broadcast_in_dim3A_132 = vector.broadcast %jit3A_130 : f32 to vector<288x1xf32>
    %select_n3A_133 = arith.select %le3A_128, %broadcast_in_dim3A_131, %broadcast_in_dim3A_132 : vector<288x1xi1>, vector<288x1xf32>
    %concatenate3A = tpu.concatenate %select_n3A, %select_n3A_73, %select_n3A_103, %select_n3A_133 in 1 : vector<288x1xf32>, vector<288x1xf32>, vector<288x1xf32>, vector<288x1xf32> -> vector<288x4xf32>
    %swap3A = arith.constant 0 : index
    %swap3A_134 = arith.constant 0 : index
    %swap3A_135 = vector.load %arg1[%swap3A, %swap3A_134] : memref<288x4xf32, #tpu.memory_space<vmem>>, vector<288x4xf32>
    tpu.vector_store %arg1[%swap3A, %swap3A_134], %concatenate3A {strides = array<i32>} : memref<288x4xf32, #tpu.memory_space<vmem>>, vector<288x4xf32>,
    return
  }
}

</mosaic_0001>

<sc_bundles>
// kernel: kernel.4.cloned.1.call-start
scs
__scs_entry_jumppad:
0x0: {  	(pc) =	sbr.rel $0x88, $3  }
0x1: {  	(tag) =	ssettag $0x0;
	lr =	simm.s32 $0x1  }
0x2: {  	[smem:$0x3FA0] =	sst lr;
	_ =	strace $0xD0000000  }
0x3: {  	_ = 	snop  }
0x4: {  	_ = 	snop  }
0x5: {  	_ = 	snop  }
0x6: {  	_ = 	snop  }
0x7: {  	_ = 	snop  }
__scs_overlays_trampoline_lowered:
0x8: {  	[smem:$0x3FAF] =	sst s0  }
0x9: {  	[smem:$0x3FB0] =	sst s1  }
0xa: {  	[smem:$0x3FB1] =	sst s2  }
0xb: {  	[smem:$0x3FB2] =	sst s3  }
0xc: {  	[smem:$0x3FB3] =	sst s4  }
0xd: {  	[smem:$0x3FB4] =	sst s5  }
0xe: {  	[smem:$0x3FB5] =	sst s6  }
0xf: {  	[smem:$0x3FB6] =	sst s7  }
0x10: {  	[smem:$0x3FB7] =	sst s8  }
0x11: {  	[smem:$0x3FB8] =	sst s9;
	s0 =	simm.s32 @!p0 $0x0  }
0x12: {  	s1 =	sld [smem:$0x3F9E];
	s0 =	simm.s32 @p0 $0x1  }
0x13: {  	[smem:$0x3FB9] =	sst s0;
	s0 =	simm.s32 @!p1 $0x0  }
0x14: {  	s2 =	sld [smem:$0x3F9D];
	s0 =	simm.s32 @p1 $0x1  }
0x15: {  	[smem:$0x3FBA] =	sst s0;
	s0 =	simm.s32 @!p2 $0x0  }
0x16: {  	s3 =	sld [smem:$0x3FDB];
	s0 =	simm.s32 @p2 $0x1  }
0x17: {  	s4 =	simm.s32 $0x1BF5;
	[smem:$0x3FBC] =	sst s0  }
0x18: {  	s0 =	sld [smem:$0x3F9F];
	_ =	swait.ge [sflag:s4], $0x0  }
0x19: {  	s7 =	sld [smem:$0x3FA0]  }
0x1a: {  	s8 =	sadd.s32 $0xFFFFE003, lr  }
0x1b: {  	s9 =	sadd.s32 $0xFFFFFEF7, lr;
	s5 =	simm.s32 $0xFFFFFFFF;
	p2 =	slt.u32 s8, $0xFFFFF086  }
0x1c: {  	p1 =	slt.u32 s9, $0xF7A;
	s5 =	simm.s32 @!p2 $0x0  }
0x1d: {  	s5 =	simm.s32 @p1 $0x1;
	p0 =	seq.s32 s7, s2  }
0x1e: {  	s7 =	smul.u32 @!p0 $0xF7A, s2;
	p2 =	seq.s32 @!p0 s5, $0x0  }
0x1f: {  	s9 =	smul.u32 $0xF7A, s1;
	s8 =	simm.s32 @!p0 $0x1BF5;
	p2 =	por !p2, p0  }
0x20: {  	[sflag:s8] =	ssyncset.s32 @!p0 $0xFFFFF086;
	s6 =	sadd.s32 @!p0 s3, s7;
	s7 =	simm.s32 @!p0 $0x108  }
0x21: {  	s3 =	sadd.s32 s3, s9;
	s6 =	sadd.s32 @!p0 $0x88, s6;
	s7 =	simm.s32 @p2 $0x1082  }
0x22: {  	[simem:s7], [sflag:s8] =	dma.local @!p0 [hbm:s6], $0xF7A  }
0x23: {  	s9 =	sor.u32 $0xD0000000, s2;
	s6 =	simm.s32 $0x108;
	_ =	swait.ge @!p0 [sflag:s8], $0x0  }
0x24: {  	s3 =	sadd.s32 $0x88, s3;
	s6 =	simm.s32 @!p1 $0x1082;
	[sflag:s4] =	ssyncset.s32 $0xFFFFF086  }
0x25: {  	[simem:s6], [sflag:s4] =	dma.local [hbm:s3], $0xF7A  }
0x26: {  	[smem:$0x3FA0] =	sst s1;
	(tag) =	ssettag s2;
	_ =	strace s9  }
0x27: {  	s1 =	sld [smem:$0x3FB0]  }
0x28: {  	s2 =	sld [smem:$0x3FB1]  }
0x29: {  	s4 =	sld [smem:$0x3FB3]  }
0x2a: {  	p0 =	seq.s32 s5, $0x0;
	s5 =	sld [smem:$0x3FB4]  }
0x2b: {  	s6 =	sld [smem:$0x3FB5]  }
0x2c: {  	s7 =	sld [smem:$0x3FB6]  }
0x2d: {  	s3 =	simm.s32 $0x108;
	s8 =	sld [smem:$0x3FB7]  }
0x2e: {  	s3 =	simm.s32 @!p0 $0x1082;
	s9 =	sld [smem:$0x3FB8]  }
0x2f: {  	lr =	sadd.s32 s0, s3;
	s0 =	sld [smem:$0x3FAF]  }
0x30: {  	s3 =	sld [smem:$0x3FB2]  }
0x31: {  	[smem:$0x3FBB] =	sst s10  }
0x32: {  	s10 =	sld [smem:$0x3FB9];
	_ =	sdelay $0x3  }
0x33: {  	p0 =	seq.s32 s10, $0x1;
	s10 =	sld [smem:$0x3FBB];
	_ =	sdelay $0x3  }
0x34: {  	[smem:$0x3FBB] =	sst s10  }
0x35: {  	s10 =	sld [smem:$0x3FBA];
	_ =	sdelay $0x3  }
0x36: {  	p1 =	seq.s32 s10, $0x1;
	s10 =	sld [smem:$0x3FBB];
	_ =	sdelay $0x3  }
0x37: {  	[smem:$0x3FBB] =	sst s10  }
0x38: {  	s10 =	sld [smem:$0x3FBC]  }
0x39: {  	_ = 	snop;
	(pc) =	sbr.ind lr, $3  }
0x3a: {  	_ = 	snop  }
0x3b: {  	_ = 	snop  }
0x3c: {  	p2 =	seq.s32 s10, $0x1;
	s10 =	sld [smem:$0x3FBB]  }
0x3d: {  	_ =	shalt  }
0x3e: {  	_ =	shalt  }
0x3f: {  	_ =	shalt  }
0x40: {  	_ =	shalt  }
0x41: {  	_ =	shalt  }
0x42: {  	_ =	shalt  }
0x43: {  	_ =	shalt  }
0x44: {  	_ =	shalt  }
0x45: {  	_ =	shalt  }
0x46: {  	_ =	shalt  }
0x47: {  	_ =	shalt  }
0x48: {  	_ =	shalt  }
0x49: {  	_ =	shalt  }
0x4a: {  	_ =	shalt  }
0x4b: {  	_ =	shalt  }
0x4c: {  	_ =	shalt  }
0x4d: {  	_ =	shalt  }
0x4e: {  	_ =	shalt  }
0x4f: {  	_ =	shalt  }
0x50: {  	_ =	shalt  }
0x51: {  	_ =	shalt  }
0x52: {  	_ =	shalt  }
0x53: {  	_ =	shalt  }
0x54: {  	_ =	shalt  }
0x55: {  	_ =	shalt  }
0x56: {  	_ =	shalt  }
0x57: {  	_ =	shalt  }
0x58: {  	_ =	shalt  }
0x59: {  	_ =	shalt  }
0x5a: {  	_ =	shalt  }
0x5b: {  	_ =	shalt  }
0x5c: {  	_ =	shalt  }
0x5d: {  	_ =	shalt  }
0x5e: {  	_ =	shalt  }
0x5f: {  	_ =	shalt  }
0x60: {  	_ =	shalt  }
0x61: {  	_ =	shalt  }
0x62: {  	_ =	shalt  }
0x63: {  	_ =	shalt  }
0x64: {  	_ =	shalt  }
0x65: {  	_ =	shalt  }
0x66: {  	_ =	shalt  }
0x67: {  	_ =	shalt  }
0x68: {  	_ =	shalt  }
0x69: {  	_ =	shalt  }
0x6a: {  	_ =	shalt  }
0x6b: {  	_ =	shalt  }
0x6c: {  	_ =	shalt  }
0x6d: {  	_ =	shalt  }
0x6e: {  	_ =	shalt  }
0x6f: {  	_ =	shalt  }
0x70: {  	_ =	shalt  }
0x71: {  	_ =	shalt  }
0x72: {  	_ =	shalt  }
0x73: {  	_ =	shalt  }
0x74: {  	_ =	shalt  }
0x75: {  	_ =	shalt  }
0x76: {  	_ =	shalt  }
0x77: {  	_ =	shalt  }
0x78: {  	_ =	shalt  }
0x79: {  	_ =	shalt  }
0x7a: {  	_ =	shalt  }
0x7b: {  	_ =	shalt  }
0x7c: {  	_ =	shalt  }
0x7d: {  	_ =	shalt  }
0x7e: {  	_ =	shalt  }
0x7f: {  	_ =	shalt  }
0x80: {  	_ =	shalt  }
0x81: {  	_ =	shalt  }
0x82: {  	_ =	shalt  }
0x83: {  	_ =	shalt  }
0x84: {  	_ =	shalt  }
0x85: {  	_ =	shalt  }
0x86: {  	_ =	shalt  }
0x87: {  	_ =	shalt  }
.Lfunc_end0:
.L_simem_size_0:
called_computation_lowered:
.L_overlay_start_0:
0x88: {  	s2 =	sld [smem:$0x3FD9]  }
0x89: {  	s3 =	sld [smem:$0x3FFE];
	_ =	sdelay $0x1  }
0x8a: {  	s1 =	srdreg.scid  }
0x8b: {  	s0 =	sand.u32 $0x1, s1  }
0x8c: {  	s17 =	sshll.u32 s0, $0xA;
	s2 =	sadd.s32 s3, s2  }
0x8d: {  	s2 =	sadd.s32 s2, s17  }
0x8e: {  	[smem:$0x3FC7] =	sst s2  }
0x8f: {  	_ = 	snop  }
0x90: {  	s2 =	sld [smem:$0x3FD0];
	(tm) =	ssettm $0x1  }
0x91: {  	s18 =	sld [smem:$0x3FFB];
	_ =	sdelay $0x3  }
0x92: {  	_ =	strace s18  }
0x93: {  	s3 =	sld [smem:$0x3FFC];
	_ =	sdelay $0x3  }
0x94: {  	_ =	strace s3  }
0x95: {  	s3 =	sld [smem:$0x3FFD];
	_ =	sdelay $0x3  }
0x96: {  	_ =	strace s3  }
0x97: {  	_ =	strace $0x8FFFFFFF  }
0x98: {  	s19 =	sld [smem:$0x3FDB];
	_ =	sdelay $0x1  }
0x99: {  	s4 =	simm.s32 $_scs_section_size  }
0x9a: {  	s5 =	simm.s32 $_size__tile_overlayer_lowered;
	s6 =	simm.s32 $_tile_overlayer_lowered  }
0x9b: {  	s22 =	simm.s32 $0x1BFF;
	s21 =	sshll.u32 s6, $0x1;
	s3 =	sadd.s32 s4, s19  }
0x9c: {  	s7 =	simm.s32 $0x0;
	s20 =	sshll.u32 s5, $0x1;
	s5 =	sadd.s32 s21, s3  }
0x9d: {  	[timem:s7], [sflag:s22] =	dma.local [hbm:s5], s20  }
0x9e: {  	_ =	swait.ge [sflag:s22], s20  }
0x9f: {  	s4 =	ssub.s32 $0x0, s20;
	[sflag:s22] =	ssyncset.done $0x0  }
0xa0: {  	[sflag:s22] =	ssyncadd.s32 s4;
	_ =	sdelay $0x1  }
0xa1: {  	s23 =	simm.s32 $0x1B8B  }
0xa2: {  	_ =	swait.ge [sflag:s23], $0x1  }
0xa3: {  	[sflag:s23] =	ssyncset.done $0x0  }
0xa4: {  	s25 =	simm.s32 $0x1B8E;
	s24 =	sld [smem:$0x3FFE];
	[sflag:s23] =	ssyncadd.s32 $0xFFFFFFFF  }
0xa5: {  	s26 =	simm.s32 $execute0_lowered;
	[smem:$0x3FD2] =	sst s25  }
0xa6: {  	s5 =	sshll.u32 s26, $0x1;
	_ =	strace $0x80000046;
	[dreg:$0x1] =	wrdreg $0xFFFFFFFF  }
0xa7: {  	s28 =	simm.s32 $_size_execute0_lowered;
	s3 =	sadd.s32 s3, s5;
	[dreg:$0x0] =	wrdreg $0x0  }
0xa8: {  	s5 =	sshll.u32 s28, $0x1;
	[dreg:$0x2] =	wrdreg s3  }
0xa9: {  	[dreg:$0x3] =	wrdreg s5  }
0xaa: {  	[dreg:$0x4] =	wrdreg $0xC0  }
0xab: {  	_ =	task [dreg:s7], $0x5FFFF  }
0xac: {  	[dreg:$0x1] =	wrdreg $0xFFFFFFFF  }
0xad: {  	[dreg:$0x0] =	wrdreg $0x60  }
0xae: {  	[dreg:$0x2] =	wrdreg s24  }
0xaf: {  	[dreg:$0x3] =	wrdreg s2  }
0xb0: {  	[dreg:$0x4] =	wrdreg $0x9  }
0xb1: {  	_ =	task.clear_ibuf [dreg:s7], $0x5FFFF;
	_ =	strace $0x90000046  }
0xb2: {  	s29 =	simm.s32 $0x9;
	_ =	strace $0x80000048  }
0xb3: {  	_ =	swait.ge [sflag:s29], $0x1  }
0xb4: {  	[sflag:s29] =	ssyncadd.s32 $0xFFFFFFFF  }
0xb5: {  	_ =	strace $0x90000048  }
0xb6: {  	_ =	sfence  }
0xb7: {  	s30 =	sld [smem:$0x0];
	_ =	sdelay $0x2  }
0xb8: {  	s31 =	sshll.u32 s1, $0xD;
	s1 =	sshrl.u32 s1, $0x2  }
0xb9: {  	s3 =	sand.u32 $0x4000, s31;
	s1 =	sadd.s32 s1, s30  }
0xba: {  	s0 =	sor.u32 s3, s0;
	s1 =	sshll.u32 s1, $0x11  }
0xbb: {  	s0 =	sor.u32 s1, s0  }
0xbc: {  	s0 =	sadd.s32 $0x8F2B, s0  }
0xbd: {  	[sflag:s0] =	ssyncadd.remote.s32 $0x1  }
0xbe: {  	_ =	sfence.sel $0xFFFF  }
0xbf: {  	[dreg:$0x0] =	wrdreg $0xFFFFFFFF;
	(pc) =	sbr.abs _section_cstart, $3  }
0xc0: {  	[dreg:$0x1] =	wrdreg $0xFFFFFFFF  }
0xc1: {  	_ =	task.clear_ibuf [dreg:s7], $0x2FFFF;
	_ =	strace $0x9FFFFFFF  }
0xc2: {  	(tm) =	ssettm $0x7FFFFFFF  }
0xc3: {  	_ =	shalt  }
tec
execute0_lowered:
.L_overlay_start_1:
0x0: {  	(tag) =	ssettag $0x1  }
0x1: {  	s1 =	srdreg.scid  }
0x2: {  	s3 =	rddreg [dreg:$0x0];
	s0 =	stileid.u32;
	s11 =	sand.u32 $0x1, s1  }
0x3: {  	s7 =	rddreg [dreg:$0x1];
	s4 =	sshll.u32 s0, $0x2;
	s5 =	sshll.u32 s11, $0x1  }
0x4: {  	s2 =	simm.s32 $0x0;
	s1 =	rddreg [dreg:$0x2];
	s8 =	sor.u32 s5, s4  }
0x5: {  	[smem:$0x7FF] =	sst s2;
	s5 =	sadd.s32 s8, s3  }
0x6: {  	_ =	strace $0x80000047;
	s3 =	simm.s32 $0x1;
	s4 =	sadd.s32 $0x800, s5  }
0x7: {  	[tilespmem:s2], [sflag:$0x1] =	stream.linear.gather [hbm4b:s4+s2], $0x10, $0x38;
	[tilespmem:$0x180] =	vst v63  }
0x8: {  	_ =	swait.ge [sflag:s3], $0x10  }
0x9: {  	[sflag:s3] =	ssyncset.done $0x0  }
0xa: {  	s6 =	simm.s32 $0x80;
	s5 =	sadd.s32 $0x600, s5;
	[sflag:s3] =	ssyncadd.s32 $0xFFFFFFF0  }
0xb: {  	[tilespmem:s6], [sflag:$0x1] =	stream.linear.gather [hbm4b:s5+s2], $0x10, $0x38;
	[tilespmem:$0x180] =	vst v63  }
0xc: {  	_ =	swait.ge [sflag:s3], $0x10  }
0xd: {  	[sflag:s3] =	ssyncset.done $0x0  }
0xe: {  	[sflag:s3] =	ssyncadd.s32 $0xFFFFFFF0  }
0xf: {  	v0 =	vld [tilespmem:$0x0]  }
0x10: {  	v1 =	vld [tilespmem:$0x80];
	_ =	sdelay $0x4  }
0x11: {  	v0 =	vmul.f32 $1.250000000e-01, v0;
	v1 =	vmul.f32 $1.250000000e-01, v1;
	_ =	sdelay $0x1  }
0x12: {  	v2 =	vadd.f32 $1.258291200e+07, v0;
	v3 =	vadd.f32 $1.258291200e+07, v1  }
0x13: {  	v4 =	vand.u32 $0x7FFFFFFF, v0  }
0x14: {  	v5 =	vand.u32 $0x7FFFFFFF, v1;
	v2 =	vadd.f32 $-1.258291200e+07, v2;
	v3 =	vadd.f32 $-1.258291200e+07, v3  }
0x15: {  	vm0 =	vge.f32 v4, $4.194304000e+06;
	vm1 =	vge.f32 v5, $4.194304000e+06  }
0x16: {  	v0 =	vsel vm0, v0, v2;
	v1 =	vsel vm1, v1, v3  }
0x17: {  	v0 =	vtrunc.f32 v0;
	v1 =	vtrunc.f32 v1  }
0x18: {  	v2 =	vcvt.f32.s32 v0;
	v0 =	vcvt.f32.s32 v1;
	_ =	sdelay $0x1  }
0x19: {  	v0 =	vsub.s32 v0, v2  }
0x1a: {  	v0 =	vadd.s32 $0x1, v0  }
0x1b: {  	vm15 =	vgt.s32 v0, $0x1  }
0x1c: {  	v0 =	vnsel vm15, $0x1, v0  }
0x1d: {  	v0 =	vcvt.s32.f32 v0;
	_ =	sdelay $0x1  }
0x1e: {  	v3 =	vmul.f32 $2.500000000e-01, v0;
	_ =	sdelay $0x1  }
0x1f: {  	v1 =	vtrunc.f32 v3  }
0x20: {  	v51 =	vcvt.f32.s32 v1  }
0x21: {  	vm5 =	vgt.s32 v2, $0x0;
	v0 =	vimm.s32 $0x0;
	vm4 =	vlt.f32 v3, v1  }
0x22: {  	v52 =	vadd.f32 v3, v3;
	v6 =	vsel vm4, $0xFFFFFFFF, v0;
	v4 =	vadd.s32 v2, v51  }
0x23: {  	v53 =	vnsel vm5, $0x0, v2;
	v4 =	vadd.s32 v6, v4  }
0x24: {  	v9 =	vmul.f32 $3.000000000e+00, v3;
	v7 =	vtrunc.f32 v52;
	vm6 =	vgt.s32 v4, $0x0  }
0x25: {  	v8 =	vcvt.f32.s32 v7;
	v6 =	vmin.u32 v53, $0x10;
	v4 =	vnsel vm6, $0x0, v4  }
0x26: {  	v1 =	vimm.f32 $0.0e+00;
	vm7 =	vlt.f32 v52, v7;
	vm8 =	vlt.u32 v4, v6  }
0x27: {  	v55 =	vsel vm7, $0xFFFFFFFF, v0;
	v54 =	vadd.s32 v2, v8;
	v56 =	vsel vm8, $0xFF800000, v1  }
0x28: {  	s7 =	sadd.s32 s7, s8;
	s8 =	simm.s32 $0x100;
	v5 =	vadd.s32 v55, v54;
	[tilespmem:$0x100] =	vst v56  }
0x29: {  	v57 =	vtrunc.f32 v9;
	vm9 =	vgt.s32 v5, $0x0;
	[hbm4b:s7+s2] =	stream.linear.scatter [tilespmem:s8], [sflag:$0x1], $0x10, $0x38;
	[tilespmem:$0x180] =	vst v63  }
0x2a: {  	v58 =	vcvt.f32.s32 v57;
	v4 =	vmin.u32 v4, $0x10;
	v5 =	vnsel vm9, $0x0, v5;
	_ =	swait.ge [sflag:s3], $0x10  }
0x2b: {  	v3 =	vmul.f32 $4.000000000e+00, v3;
	vm10 =	vlt.f32 v9, v57;
	vm11 =	vlt.u32 v5, v4;
	[sflag:s3] =	ssyncset.done $0x0  }
0x2c: {  	v59 =	vsel vm10, $0xFFFFFFFF, v0;
	v60 =	vadd.s32 v2, v58;
	v61 =	vsel vm11, $0xFF800000, v1;
	[sflag:s3] =	ssyncadd.s32 $0xFFFFFFF0  }
0x2d: {  	s9 =	sadd.s32 $0x40, s7;
	v4 =	vadd.s32 v59, v60;
	[tilespmem:$0x100] =	vst v61  }
0x2e: {  	v62 =	vtrunc.f32 v3;
	vm12 =	vgt.s32 v4, $0x0;
	[hbm4b:s9+s2] =	stream.linear.scatter [tilespmem:s8], [sflag:$0x1], $0x10, $0x38;
	[tilespmem:$0x180] =	vst v63  }
0x2f: {  	s11 =	ssub.s32 $0x2, s11;
	v63 =	vcvt.f32.s32 v62;
	v5 =	vmin.u32 v5, $0x10;
	v4 =	vnsel vm12, $0x0, v4;
	_ =	swait.ge [sflag:s3], $0x10  }
0x30: {  	s12 =	sshrl.u32 s11, $0x1;
	vm13 =	vlt.f32 v3, v62;
	vm14 =	vlt.u32 v4, v5;
	[sflag:s3] =	ssyncset.done $0x0  }
0x31: {  	s12 =	ssub.s32 s11, s12;
	v3 =	vsel vm13, $0xFFFFFFFF, v0;
	v2 =	vadd.s32 v2, v63;
	v5 =	vsel vm14, $0xFF800000, v1;
	[sflag:s3] =	ssyncadd.s32 $0xFFFFFFF0  }
0x32: {  	s10 =	sadd.s32 $0x80, s7;
	s12 =	smax.u32 s12, $0x1;
	v2 =	vadd.s32 v3, v2;
	[tilespmem:$0x100] =	vst v5  }
0x33: {  	vm15 =	vgt.s32 v2, $0x0;
	[hbm4b:s10+s2] =	stream.linear.scatter [tilespmem:s8], [sflag:$0x1], $0x10, $0x38;
	[tilespmem:$0x180] =	vst v63  }
0x34: {  	p0 =	sne.s32 s12, $0x1;
	v2 =	vnsel vm15, $0x0, v2;
	v3 =	vmin.u32 v4, $0x10;
	_ =	swait.ge [sflag:s3], $0x10  }
.Ltmp0:
0x35: {  	vm0 =	vlt.u32 v2, v3;
	[sflag:s3] =	ssyncset.done $0x0;
	(pc) =	sbr.rel @!p0 .LBB2_2-.Ltmp0, $4  }
0x36: {  	v2 =	vsel vm0, $0xFF800000, v1;
	[sflag:s3] =	ssyncadd.s32 $0xFFFFFFF0  }
0x37: {  	s11 =	sadd.s32 $0xC0, s7;
	[tilespmem:$0x100] =	vst v2  }
0x38: {  	[hbm4b:s11+s2] =	stream.linear.scatter [tilespmem:s8], [sflag:$0x1], $0x10, $0x38;
	[tilespmem:$0x180] =	vst v63  }
0x39: {  	s12 =	sadd.s32 $0xFFFFFFFF, s12;
	_ =	swait.ge [sflag:s3], $0x10  }
.LBB2_1:
0x3a: {  	p0 =	sne.s32 s12, $0x1;
	s12 =	sadd.s32 $0xFFFFFFFF, s12;
	[sflag:s3] =	ssyncset.done $0x0  }
0x3b: {  	[sflag:s3] =	ssyncadd.s32 $0xFFFFFFF0  }
0x3c: {  	[tilespmem:s2], [sflag:$0x1] =	stream.linear.gather [hbm4b:s4+s2], $0x10, $0x38;
	[tilespmem:$0x180] =	vst v63  }
0x3d: {  	_ =	swait.ge [sflag:s3], $0x10  }
0x3e: {  	[sflag:s3] =	ssyncset.done $0x0  }
0x3f: {  	[sflag:s3] =	ssyncadd.s32 $0xFFFFFFF0  }
0x40: {  	[tilespmem:s6], [sflag:$0x1] =	stream.linear.gather [hbm4b:s5+s2], $0x10, $0x38;
	[tilespmem:$0x180] =	vst v63  }
0x41: {  	_ =	swait.ge [sflag:s3], $0x10  }
0x42: {  	[sflag:s3] =	ssyncset.done $0x0  }
0x43: {  	[sflag:s3] =	ssyncadd.s32 $0xFFFFFFF0  }
0x44: {  	v2 =	vld [tilespmem:$0x0]  }
0x45: {  	v3 =	vld [tilespmem:$0x80];
	_ =	sdelay $0x3  }
0x46: {  	v2 =	vmul.f32 $1.250000000e-01, v2  }
0x47: {  	v3 =	vmul.f32 $1.250000000e-01, v3  }
0x48: {  	v4 =	vadd.f32 $1.258291200e+07, v2;
	v5 =	vand.u32 $0x7FFFFFFF, v2  }
0x49: {  	v6 =	vadd.f32 $1.258291200e+07, v3;
	v7 =	vand.u32 $0x7FFFFFFF, v3  }
0x4a: {  	v4 =	vadd.f32 $-1.258291200e+07, v4  }
0x4b: {  	vm0 =	vge.f32 v5, $4.194304000e+06;
	vm1 =	vge.f32 v7, $4.194304000e+06;
	v5 =	vadd.f32 $-1.258291200e+07, v6  }
0x4c: {  	v2 =	vsel vm0, v2, v4  }
0x4d: {  	v2 =	vtrunc.f32 v2;
	v3 =	vsel vm1, v3, v5  }
0x4e: {  	v2 =	vcvt.f32.s32 v2;
	v3 =	vtrunc.f32 v3  }
0x4f: {  	v3 =	vcvt.f32.s32 v3  }
0x50: {  	vm0 =	vgt.s32 v2, $0x0  }
0x51: {  	v3 =	vsub.s32 v3, v2;
	v4 =	vnsel vm0, $0x0, v2  }
0x52: {  	v3 =	vadd.s32 $0x1, v3  }
0x53: {  	vm0 =	vgt.s32 v3, $0x1  }
0x54: {  	v3 =	vnsel vm0, $0x1, v3  }
0x55: {  	v3 =	vcvt.s32.f32 v3;
	_ =	sdelay $0x1  }
0x56: {  	v3 =	vmul.f32 $2.500000000e-01, v3  }
0x57: {  	v4 =	vmin.u32 v4, $0x10  }
0x58: {  	v5 =	vtrunc.f32 v3;
	v6 =	vadd.f32 v3, v3;
	v7 =	vmul.f32 $3.000000000e+00, v3  }
0x59: {  	v8 =	vcvt.f32.s32 v5;
	vm0 =	vlt.f32 v3, v5;
	v3 =	vmul.f32 $4.000000000e+00, v3  }
0x5a: {  	v5 =	vsel vm0, $0xFFFFFFFF, v0;
	v9 =	vtrunc.f32 v6;
	v10 =	vtrunc.f32 v7  }
0x5b: {  	v8 =	vadd.s32 v2, v8;
	v11 =	vcvt.f32.s32 v9;
	v12 =	vtrunc.f32 v3  }
0x5c: {  	v5 =	vadd.s32 v5, v8;
	v8 =	vcvt.f32.s32 v10;
	vm0 =	vlt.f32 v3, v12  }
0x5d: {  	vm1 =	vgt.s32 v5, $0x0;
	v3 =	vadd.s32 v2, v11;
	v11 =	vsel vm0, $0xFFFFFFFF, v0  }
0x5e: {  	vm0 =	vlt.f32 v6, v9;
	v6 =	vcvt.f32.s32 v12;
	v5 =	vnsel vm1, $0x0, v5  }
0x5f: {  	vm1 =	vlt.u32 v5, v4;
	v4 =	vsel vm0, $0xFFFFFFFF, v0;
	vm0 =	vlt.f32 v7, v10  }
0x60: {  	v5 =	vmin.u32 v5, $0x10;
	v7 =	vsel vm1, $0xFF800000, v1;
	v9 =	vsel vm0, $0xFFFFFFFF, v0  }
0x61: {  	v3 =	vadd.s32 v4, v3;
	v4 =	vadd.s32 v2, v8;
	v2 =	vadd.s32 v2, v6;
	[tilespmem:$0x100] =	vst v7  }
0x62: {  	vm0 =	vgt.s32 v3, $0x0;
	v4 =	vadd.s32 v9, v4;
	v2 =	vadd.s32 v11, v2;
	[hbm4b:s7+s2] =	stream.linear.scatter [tilespmem:s8], [sflag:$0x1], $0x10, $0x38;
	[tilespmem:$0x180] =	vst v63  }
0x63: {  	v3 =	vnsel vm0, $0x0, v3;
	vm0 =	vgt.s32 v4, $0x0;
	vm1 =	vgt.s32 v2, $0x0;
	_ =	swait.ge [sflag:s3], $0x10  }
0x64: {  	v4 =	vnsel vm0, $0x0, v4;
	v2 =	vnsel vm1, $0x0, v2;
	vm0 =	vlt.u32 v3, v5;
	[sflag:s3] =	ssyncset.done $0x0  }
0x65: {  	v3 =	vmin.u32 v3, $0x10;
	v5 =	vmin.u32 v4, $0x10;
	v6 =	vsel vm0, $0xFF800000, v1;
	[sflag:s3] =	ssyncadd.s32 $0xFFFFFFF0  }
0x66: {  	vm0 =	vlt.u32 v4, v3;
	vm1 =	vlt.u32 v2, v5;
	[tilespmem:$0x100] =	vst v6  }
0x67: {  	[hbm4b:s9+s2] =	stream.linear.scatter [tilespmem:s8], [sflag:$0x1], $0x10, $0x38;
	[tilespmem:$0x180] =	vst v63  }
0x68: {  	_ =	swait.ge [sflag:s3], $0x10  }
0x69: {  	[sflag:s3] =	ssyncset.done $0x0  }
0x6a: {  	v2 =	vsel vm0, $0xFF800000, v1;
	[sflag:s3] =	ssyncadd.s32 $0xFFFFFFF0  }
0x6b: {  	[tilespmem:$0x100] =	vst v2  }
0x6c: {  	[hbm4b:s10+s2] =	stream.linear.scatter [tilespmem:s8], [sflag:$0x1], $0x10, $0x38;
	[tilespmem:$0x180] =	vst v63  }
0x6d: {  	_ =	swait.ge [sflag:s3], $0x10  }
.Ltmp1:
0x6e: {  	[sflag:s3] =	ssyncset.done $0x0;
	(pc) =	sbr.rel @p0 .LBB2_1-.Ltmp1, $4  }
0x6f: {  	v2 =	vsel vm1, $0xFF800000, v1;
	[sflag:s3] =	ssyncadd.s32 $0xFFFFFFF0  }
0x70: {  	[tilespmem:$0x100] =	vst v2  }
0x71: {  	[hbm4b:s11+s2] =	stream.linear.scatter [tilespmem:s8], [sflag:$0x1], $0x10, $0x38;
	[tilespmem:$0x180] =	vst v63  }
0x72: {  	_ =	swait.ge [sflag:s3], $0x10  }
.LBB2_2:
0x73: {  	[sflag:s3] =	ssyncset.done $0x0  }
0x74: {  	[sflag:s3] =	ssyncadd.s32 $0xFFFFFFF0  }
0x75: {  	_ =	sfence.sel $0x180000  }
0x76: {  	[bflag:$0x0] =	sbarrier.arrive $0xFFFF  }
0x77: {  	p0 =	sne.s32 s0, $0x0;
	_ =	strace $0x90000047  }
0x78: {  	s0 =	sadd.s32 @!p0 $0x100000, s1;
	[bflag:$0x2] =	sbarrier.arrive $0xFFFF  }
0x79: {  	[sflag:s0] =	ssyncadd.tile.s32 @!p0 $0x1;
	_ =	shalt  }
.Lfunc_end2:
_tile_overlayer_lowered:
.L_overlay_start_2:
0x7a: {  	(tag) =	ssettag $0x2  }
0x7b: {  	s0 =	rddreg [dreg:$0x0];
	s2 =	stileid.u32  }
0x7c: {  	s1 =	rddreg [dreg:$0x1];
	p0 =	sne.s32 s2, $0x0  }
0x7d: {  	s3 =	rddreg [dreg:$0x2];
	[bflag:$0x3] =	sbarrier.arrive $0xFFFF;
	s2 =	simm.s32 @!p0 $0x1C01  }
0x7e: {  	[timem:s3], [sflag:s2] =	dma.local @!p0 [hbm:s0], s1  }
0x7f: {  	s0 =	simm.s32 @!p0 $0x1  }
0x80: {  	_ =	swait.ge @!p0 [sflag:s0], s1  }
0x81: {  	s1 =	ssub.s32 @!p0 $0x0, s1;
	[sflag:s0] =	ssyncset.done @!p0 $0x0  }
0x82: {  	[sflag:s0] =	ssyncadd.s32 @!p0 s1  }
0x83: {  	[bflag:$0x3] =	sbarrier.arrive $0xFFFF  }
0x84: {  	_ =	shalt  }

</sc_bundles>
